<compile_context>
chip_gen: v7x
topology: tpu7x:2x2x1
jax: 0.10.2.dev20260603
libtpu: 0.0.44.dev20260713+nightly
codegen_flags: <defaults>
</compile_context>

<pallas_src>
import jax
import jax.numpy as jnp
from jax import lax
from jax.experimental import pallas as pl
from jax.experimental.pallas import tpu as pltpu
from jax.experimental.pallas import tpu_sc as plsc

D_MODEL = 1024
SEQ_LEN = 4096
BATCH = 4

NUM_WORKERS = 32
TILE_ROWS = 3072
TILE_ROWS_PER_WORKER = TILE_ROWS // NUM_WORKERS

SCS_ROWS = SEQ_LEN - TILE_ROWS
SCS_ROWS_PER_CORE = SCS_ROWS // 2
SCS_CHUNK = 256
SCS_NCHUNK = SCS_ROWS_PER_CORE // SCS_CHUNK


def _sc_broadcast(pos_table):
    vmesh = plsc.VectorSubcoreMesh(core_axis_name="c", subcore_axis_name="s")
    smesh = plsc.ScalarSubcoreMesh(axis_name="c", num_cores=2)

    def vector_body(pos_hbm, out_hbm, spmem, sc_lsem, sc_ssem, tbuf, tsem):
        del spmem, sc_lsem, sc_ssem
        wid = lax.axis_index("s") * vmesh.num_cores + lax.axis_index("c")
        base = wid * TILE_ROWS_PER_WORKER
        pltpu.sync_copy(pos_hbm.at[pl.ds(base, TILE_ROWS_PER_WORKER)], tbuf)
        copies = [
            pltpu.async_copy(
                tbuf, out_hbm.at[b, pl.ds(base, TILE_ROWS_PER_WORKER)], tsem
            )
            for b in range(BATCH)
        ]
        for c in copies:
            c.wait()

    def scalar_body(pos_hbm, out_hbm, spmem, sc_lsem, sc_ssem, tbuf, tsem):
        del tbuf, tsem
        cid = lax.axis_index("c")
        base = TILE_ROWS + cid * SCS_ROWS_PER_CORE

        def load(c, slot):
            return pltpu.async_copy(
                pos_hbm.at[pl.ds(base + c * SCS_CHUNK, SCS_CHUNK)],
                spmem.at[slot],
                sc_lsem.at[slot],
            )

        def stores(c, slot):
            return [
                pltpu.async_copy(
                    spmem.at[slot],
                    out_hbm.at[b, pl.ds(base + c * SCS_CHUNK, SCS_CHUNK)],
                    sc_ssem.at[slot],
                )
                for b in range(BATCH)
            ]

        loads = [load(0, 0), load(1, 1)]
        pending = [None, None]
        for c in range(SCS_NCHUNK):
            slot = c % 2
            loads[slot].wait()
            sts = stores(c, slot)
            nxt = c + 2
            if nxt < SCS_NCHUNK:
                for cp in sts:
                    cp.wait()
                loads[slot] = load(nxt, slot)
            else:
                pending[slot] = sts
        for group in pending:
            if group is not None:
                for cp in group:
                    cp.wait()

    run = pl.kernel(
        [scalar_body, vector_body],
        mesh=[smesh, vmesh],
        out_type=jax.ShapeDtypeStruct((BATCH, SEQ_LEN, D_MODEL), jnp.float32),
        scratch_types=[
            pltpu.VMEM_SHARED((2, SCS_CHUNK, D_MODEL), jnp.float32),
            pltpu.SemaphoreType.DMA((2,)) @ smesh,
            pltpu.SemaphoreType.DMA((2,)) @ smesh,
            pltpu.VMEM((TILE_ROWS_PER_WORKER, D_MODEL), jnp.float32) @ vmesh,
            pltpu.SemaphoreType.DMA @ vmesh,
        ],
    )
    return run(pos_table)


def kernel(x, pos_table):
    del x
    return _sc_broadcast(pos_table)

# --- scband reference (transcript-rebuilt; emitter-appended) ---
"""Pipeline reference for scband-learned-positional-encoding-75204877353287 (READ-ONLY COPY).

The authoritative reference and input builder live on the scoring server;
editing this copy changes nothing except your own understanding.
"""

import jax, jax.numpy as jnp
import numpy as np

D_MODEL = 1024
MAX_LEN = 4096
BATCH = 4
SEQ_LEN = 4096

def setup_inputs(seed: int = 0) -> dict:
    key = jax.random.key(seed)
    k_x, k_tab = jax.random.split(key)
    x = jax.random.normal(k_x, (BATCH, SEQ_LEN, D_MODEL), dtype=jnp.float32)
    pos_table = jax.random.normal(k_tab, (MAX_LEN, D_MODEL), dtype=jnp.float32) * 0.02
    return {"x": x, "pos_table": pos_table}

def reference(x, pos_table):
    batch_size, seq_len, _ = x.shape
    positions = jnp.arange(seq_len, dtype=jnp.int32)
    positions = jnp.broadcast_to(positions[None, :], (batch_size, seq_len))
    # embedding lookup: gather rows of pos_table
    out = jnp.take(pos_table, positions, axis=0)
    return out

if __name__ == "__main__":
    import jax
    _d = setup_inputs()
    print(jax.jit(kernel)(*tuple(_d.values())))

</pallas_src>

<mosaic_0001>
#map = affine_map<(d0) -> (0, 0)>
#map1 = affine_map<(d0) -> (0, 0, 0)>
#map2 = affine_map<(d0, d1) -> (0, 0)>
#map3 = affine_map<(d0, d1) -> (0, 0, 0)>
module attributes {stable_mosaic.version = 14 : i64} {
  func.func @scalar_body(%arg0: i32, %arg1: memref<4096x1024xf32, #tpu.memory_space<hbm>>, %arg2: memref<4x4096x1024xf32, #tpu.memory_space<hbm>>, %arg3: memref<2x256x1024xf32, #tpu.memory_space<vmem_shared>>, %arg4: memref<2x!tpu.dma_semaphore, #tpu.memory_space<semaphore_mem>>, %arg5: memref<2x!tpu.dma_semaphore, #tpu.memory_space<semaphore_mem>>, %arg6: memref<96x1024xf32, #tpu.memory_space<vmem, sc_vector_subcore>>, %arg7: memref<!tpu.dma_semaphore, #tpu.memory_space<semaphore_mem, sc_vector_subcore>>) attributes {dimension_semantics = [#tpu.dimension_semantics<core_parallel>], iteration_bounds = array<i64: 2>, scalar_prefetch = 0 : i64, scratch_operands = 5 : i64, tpu.core_type = #tpu.core_type<sc_scalar_subcore>, window_params = [{transform_indices = #map}, {transform_indices = #map1}]} {
    %mul3A = arith.constant 512 : i32
    %mul3A_0 = arith.muli %arg0, %mul3A : i32
    %add3A = arith.constant 3072 : i32
    %add3A_1 = arith.addi %add3A, %mul3A_0 : i32
    %add3A_2 = arith.constant 0 : i32
    %add3A_3 = arith.addi %add3A_1, %add3A_2 : i32
    %dma_start3A = arith.constant 0 : i32
    %dma_start3A_4 = arith.constant 0 : i32
    %dma_start3A_5 = tpu.memref_slice %arg4[%dma_start3A_4] : memref<2x!tpu.dma_semaphore, #tpu.memory_space<semaphore_mem>> -> memref<1x!tpu.dma_semaphore, #tpu.memory_space<semaphore_mem>>
    %dma_start3A_6 = tpu.memref_squeeze %dma_start3A_5 : memref<1x!tpu.dma_semaphore, #tpu.memory_space<semaphore_mem>> -> memref<!tpu.dma_semaphore, #tpu.memory_space<semaphore_mem>>
    %dma_start3A_7 = arith.constant 0 : i32
    %dma_start3A_8 = arith.constant 0 : i32
    %dma_start3A_9 = tpu.memref_slice %arg3[%dma_start3A, %dma_start3A_7, %dma_start3A_8] : memref<2x256x1024xf32, #tpu.memory_space<vmem_shared>> -> memref<1x256x1024xf32, #tpu.memory_space<vmem_shared>>
    %dma_start3A_10 = tpu.memref_squeeze %dma_start3A_9 : memref<1x256x1024xf32, #tpu.memory_space<vmem_shared>> -> memref<256x1024xf32, #tpu.memory_space<vmem_shared>>
    %dma_start3A_11 = arith.constant 0 : i32
    %dma_start3A_12 = tpu.memref_slice %arg1[%add3A_3, %dma_start3A_11] : memref<4096x1024xf32, #tpu.memory_space<hbm>> -> memref<256x1024xf32, #tpu.memory_space<hbm>>
    tpu.enqueue_dma source(%dma_start3A_12 : memref<256x1024xf32, #tpu.memory_space<hbm>>) target(%dma_start3A_10 : memref<256x1024xf32, #tpu.memory_space<vmem_shared>>) target_semaphore(%dma_start3A_6 : memref<!tpu.dma_semaphore, #tpu.memory_space<semaphore_mem>>)
    %add3A_13 = arith.constant 256 : i32
    %add3A_14 = arith.addi %add3A_1, %add3A_13 : i32
    %dma_start3A_15 = arith.constant 1 : i32
    %dma_start3A_16 = arith.constant 1 : i32
    %dma_start3A_17 = tpu.memref_slice %arg4[%dma_start3A_16] : memref<2x!tpu.dma_semaphore, #tpu.memory_space<semaphore_mem>> -> memref<1x!tpu.dma_semaphore, #tpu.memory_space<semaphore_mem>>
    %dma_start3A_18 = tpu.memref_squeeze %dma_start3A_17 : memref<1x!tpu.dma_semaphore, #tpu.memory_space<semaphore_mem>> -> memref<!tpu.dma_semaphore, #tpu.memory_space<semaphore_mem>>
    %dma_start3A_19 = arith.constant 0 : i32
    %dma_start3A_20 = arith.constant 0 : i32
    %dma_start3A_21 = tpu.memref_slice %arg3[%dma_start3A_15, %dma_start3A_19, %dma_start3A_20] : memref<2x256x1024xf32, #tpu.memory_space<vmem_shared>> -> memref<1x256x1024xf32, #tpu.memory_space<vmem_shared>>
    %dma_start3A_22 = tpu.memref_squeeze %dma_start3A_21 : memref<1x256x1024xf32, #tpu.memory_space<vmem_shared>> -> memref<256x1024xf32, #tpu.memory_space<vmem_shared>>
    %dma_start3A_23 = arith.constant 0 : i32
    %dma_start3A_24 = tpu.memref_slice %arg1[%add3A_14, %dma_start3A_23] : memref<4096x1024xf32, #tpu.memory_space<hbm>> -> memref<256x1024xf32, #tpu.memory_space<hbm>>
    tpu.enqueue_dma source(%dma_start3A_24 : memref<256x1024xf32, #tpu.memory_space<hbm>>) target(%dma_start3A_22 : memref<256x1024xf32, #tpu.memory_space<vmem_shared>>) target_semaphore(%dma_start3A_18 : memref<!tpu.dma_semaphore, #tpu.memory_space<semaphore_mem>>)
    %dma_wait3A = arith.constant 0 : i32
    %dma_wait3A_25 = arith.constant 0 : i32
    %dma_wait3A_26 = tpu.memref_slice %arg4[%dma_wait3A_25] : memref<2x!tpu.dma_semaphore, #tpu.memory_space<semaphore_mem>> -> memref<1x!tpu.dma_semaphore, #tpu.memory_space<semaphore_mem>>
    %dma_wait3A_27 = tpu.memref_squeeze %dma_wait3A_26 : memref<1x!tpu.dma_semaphore, #tpu.memory_space<semaphore_mem>> -> memref<!tpu.dma_semaphore, #tpu.memory_space<semaphore_mem>>
    %dma_wait3A_28 = arith.constant 0 : i32
    %dma_wait3A_29 = arith.constant 0 : i32
    %dma_wait3A_30 = tpu.memref_slice %arg3[%dma_wait3A, %dma_wait3A_28, %dma_wait3A_29] : memref<2x256x1024xf32, #tpu.memory_space<vmem_shared>> -> memref<1x256x1024xf32, #tpu.memory_space<vmem_shared>>
    %dma_wait3A_31 = tpu.memref_squeeze %dma_wait3A_30 : memref<1x256x1024xf32, #tpu.memory_space<vmem_shared>> -> memref<256x1024xf32, #tpu.memory_space<vmem_shared>>
    %dma_wait3A_32 = arith.constant 0 : i32
    %dma_wait3A_33 = tpu.memref_slice %arg1[%add3A_3, %dma_wait3A_32] : memref<4096x1024xf32, #tpu.memory_space<hbm>> -> memref<256x1024xf32, #tpu.memory_space<hbm>>
    tpu.wait_dma2 semaphore(%dma_wait3A_27 : memref<!tpu.dma_semaphore, #tpu.memory_space<semaphore_mem>>) src(%dma_wait3A_33 : memref<256x1024xf32, #tpu.memory_space<hbm>>) dst(%dma_wait3A_31 : memref<256x1024xf32, #tpu.memory_space<vmem_shared>>)
    %add3A_34 = arith.constant 0 : i32
    %add3A_35 = arith.addi %add3A_1, %add3A_34 : i32
    %dma_start3A_36 = arith.constant 0 : i32
    %dma_start3A_37 = arith.constant 0 : i32
    %dma_start3A_38 = arith.constant 0 : i32
    %dma_start3A_39 = tpu.memref_slice %arg5[%dma_start3A_38] : memref<2x!tpu.dma_semaphore, #tpu.memory_space<semaphore_mem>> -> memref<1x!tpu.dma_semaphore, #tpu.memory_space<semaphore_mem>>
    %dma_start3A_40 = tpu.memref_squeeze %dma_start3A_39 : memref<1x!tpu.dma_semaphore, #tpu.memory_space<semaphore_mem>> -> memref<!tpu.dma_semaphore, #tpu.memory_space<semaphore_mem>>
    %dma_start3A_41 = arith.constant 0 : i32
    %dma_start3A_42 = tpu.memref_slice %arg2[%dma_start3A_37, %add3A_35, %dma_start3A_41] : memref<4x4096x1024xf32, #tpu.memory_space<hbm>> -> memref<1x256x1024xf32, #tpu.memory_space<hbm>>
    %dma_start3A_43 = tpu.memref_squeeze %dma_start3A_42 : memref<1x256x1024xf32, #tpu.memory_space<hbm>> -> memref<256x1024xf32, #tpu.memory_space<hbm>>
    %dma_start3A_44 = arith.constant 0 : i32
    %dma_start3A_45 = arith.constant 0 : i32
    %dma_start3A_46 = tpu.memref_slice %arg3[%dma_start3A_36, %dma_start3A_44, %dma_start3A_45] : memref<2x256x1024xf32, #tpu.memory_space<vmem_shared>> -> memref<1x256x1024xf32, #tpu.memory_space<vmem_shared>>
    %dma_start3A_47 = tpu.memref_squeeze %dma_start3A_46 : memref<1x256x1024xf32, #tpu.memory_space<vmem_shared>> -> memref<256x1024xf32, #tpu.memory_space<vmem_shared>>
    tpu.enqueue_dma source(%dma_start3A_47 : memref<256x1024xf32, #tpu.memory_space<vmem_shared>>) target(%dma_start3A_43 : memref<256x1024xf32, #tpu.memory_space<hbm>>) target_semaphore(%dma_start3A_40 : memref<!tpu.dma_semaphore, #tpu.memory_space<semaphore_mem>>)
    %add3A_48 = arith.constant 0 : i32
    %add3A_49 = arith.addi %add3A_1, %add3A_48 : i32
    %dma_start3A_50 = arith.constant 0 : i32
    %dma_start3A_51 = arith.constant 1 : i32
    %dma_start3A_52 = arith.constant 0 : i32
    %dma_start3A_53 = tpu.memref_slice %arg5[%dma_start3A_52] : memref<2x!tpu.dma_semaphore, #tpu.memory_space<semaphore_mem>> -> memref<1x!tpu.dma_semaphore, #tpu.memory_space<semaphore_mem>>
    %dma_start3A_54 = tpu.memref_squeeze %dma_start3A_53 : memref<1x!tpu.dma_semaphore, #tpu.memory_space<semaphore_mem>> -> memref<!tpu.dma_semaphore, #tpu.memory_space<semaphore_mem>>
    %dma_start3A_55 = arith.constant 0 : i32
    %dma_start3A_56 = tpu.memref_slice %arg2[%dma_start3A_51, %add3A_49, %dma_start3A_55] : memref<4x4096x1024xf32, #tpu.memory_space<hbm>> -> memref<1x256x1024xf32, #tpu.memory_space<hbm>>
    %dma_start3A_57 = tpu.memref_squeeze %dma_start3A_56 : memref<1x256x1024xf32, #tpu.memory_space<hbm>> -> memref<256x1024xf32, #tpu.memory_space<hbm>>
    %dma_start3A_58 = arith.constant 0 : i32
    %dma_start3A_59 = arith.constant 0 : i32
    %dma_start3A_60 = tpu.memref_slice %arg3[%dma_start3A_50, %dma_start3A_58, %dma_start3A_59] : memref<2x256x1024xf32, #tpu.memory_space<vmem_shared>> -> memref<1x256x1024xf32, #tpu.memory_space<vmem_shared>>
    %dma_start3A_61 = tpu.memref_squeeze %dma_start3A_60 : memref<1x256x1024xf32, #tpu.memory_space<vmem_shared>> -> memref<256x1024xf32, #tpu.memory_space<vmem_shared>>
    tpu.enqueue_dma source(%dma_start3A_61 : memref<256x1024xf32, #tpu.memory_space<vmem_shared>>) target(%dma_start3A_57 : memref<256x1024xf32, #tpu.memory_space<hbm>>) target_semaphore(%dma_start3A_54 : memref<!tpu.dma_semaphore, #tpu.memory_space<semaphore_mem>>)
    %add3A_62 = arith.constant 0 : i32
    %add3A_63 = arith.addi %add3A_1, %add3A_62 : i32
    %dma_start3A_64 = arith.constant 0 : i32
    %dma_start3A_65 = arith.constant 2 : i32
    %dma_start3A_66 = arith.constant 0 : i32
    %dma_start3A_67 = tpu.memref_slice %arg5[%dma_start3A_66] : memref<2x!tpu.dma_semaphore, #tpu.memory_space<semaphore_mem>> -> memref<1x!tpu.dma_semaphore, #tpu.memory_space<semaphore_mem>>
    %dma_start3A_68 = tpu.memref_squeeze %dma_start3A_67 : memref<1x!tpu.dma_semaphore, #tpu.memory_space<semaphore_mem>> -> memref<!tpu.dma_semaphore, #tpu.memory_space<semaphore_mem>>
    %dma_start3A_69 = arith.constant 0 : i32
    %dma_start3A_70 = tpu.memref_slice %arg2[%dma_start3A_65, %add3A_63, %dma_start3A_69] : memref<4x4096x1024xf32, #tpu.memory_space<hbm>> -> memref<1x256x1024xf32, #tpu.memory_space<hbm>>
    %dma_start3A_71 = tpu.memref_squeeze %dma_start3A_70 : memref<1x256x1024xf32, #tpu.memory_space<hbm>> -> memref<256x1024xf32, #tpu.memory_space<hbm>>
    %dma_start3A_72 = arith.constant 0 : i32
    %dma_start3A_73 = arith.constant 0 : i32
    %dma_start3A_74 = tpu.memref_slice %arg3[%dma_start3A_64, %dma_start3A_72, %dma_start3A_73] : memref<2x256x1024xf32, #tpu.memory_space<vmem_shared>> -> memref<1x256x1024xf32, #tpu.memory_space<vmem_shared>>
    %dma_start3A_75 = tpu.memref_squeeze %dma_start3A_74 : memref<1x256x1024xf32, #tpu.memory_space<vmem_shared>> -> memref<256x1024xf32, #tpu.memory_space<vmem_shared>>
    tpu.enqueue_dma source(%dma_start3A_75 : memref<256x1024xf32, #tpu.memory_space<vmem_shared>>) target(%dma_start3A_71 : memref<256x1024xf32, #tpu.memory_space<hbm>>) target_semaphore(%dma_start3A_68 : memref<!tpu.dma_semaphore, #tpu.memory_space<semaphore_mem>>)
    %add3A_76 = arith.constant 0 : i32
    %add3A_77 = arith.addi %add3A_1, %add3A_76 : i32
    %dma_start3A_78 = arith.constant 0 : i32
    %dma_start3A_79 = arith.constant 3 : i32
    %dma_start3A_80 = arith.constant 0 : i32
    %dma_start3A_81 = tpu.memref_slice %arg5[%dma_start3A_80] : memref<2x!tpu.dma_semaphore, #tpu.memory_space<semaphore_mem>> -> memref<1x!tpu.dma_semaphore, #tpu.memory_space<semaphore_mem>>
    %dma_start3A_82 = tpu.memref_squeeze %dma_start3A_81 : memref<1x!tpu.dma_semaphore, #tpu.memory_space<semaphore_mem>> -> memref<!tpu.dma_semaphore, #tpu.memory_space<semaphore_mem>>
    %dma_start3A_83 = arith.constant 0 : i32
    %dma_start3A_84 = tpu.memref_slice %arg2[%dma_start3A_79, %add3A_77, %dma_start3A_83] : memref<4x4096x1024xf32, #tpu.memory_space<hbm>> -> memref<1x256x1024xf32, #tpu.memory_space<hbm>>
    %dma_start3A_85 = tpu.memref_squeeze %dma_start3A_84 : memref<1x256x1024xf32, #tpu.memory_space<hbm>> -> memref<256x1024xf32, #tpu.memory_space<hbm>>
    %dma_start3A_86 = arith.constant 0 : i32
    %dma_start3A_87 = arith.constant 0 : i32
    %dma_start3A_88 = tpu.memref_slice %arg3[%dma_start3A_78, %dma_start3A_86, %dma_start3A_87] : memref<2x256x1024xf32, #tpu.memory_space<vmem_shared>> -> memref<1x256x1024xf32, #tpu.memory_space<vmem_shared>>
    %dma_start3A_89 = tpu.memref_squeeze %dma_start3A_88 : memref<1x256x1024xf32, #tpu.memory_space<vmem_shared>> -> memref<256x1024xf32, #tpu.memory_space<vmem_shared>>
    tpu.enqueue_dma source(%dma_start3A_89 : memref<256x1024xf32, #tpu.memory_space<vmem_shared>>) target(%dma_start3A_85 : memref<256x1024xf32, #tpu.memory_space<hbm>>) target_semaphore(%dma_start3A_82 : memref<!tpu.dma_semaphore, #tpu.memory_space<semaphore_mem>>)
    %dma_wait3A_90 = arith.constant 1 : i32
    %dma_wait3A_91 = arith.constant 1 : i32
    %dma_wait3A_92 = tpu.memref_slice %arg4[%dma_wait3A_91] : memref<2x!tpu.dma_semaphore, #tpu.memory_space<semaphore_mem>> -> memref<1x!tpu.dma_semaphore, #tpu.memory_space<semaphore_mem>>
    %dma_wait3A_93 = tpu.memref_squeeze %dma_wait3A_92 : memref<1x!tpu.dma_semaphore, #tpu.memory_space<semaphore_mem>> -> memref<!tpu.dma_semaphore, #tpu.memory_space<semaphore_mem>>
    %dma_wait3A_94 = arith.constant 0 : i32
    %dma_wait3A_95 = arith.constant 0 : i32
    %dma_wait3A_96 = tpu.memref_slice %arg3[%dma_wait3A_90, %dma_wait3A_94, %dma_wait3A_95] : memref<2x256x1024xf32, #tpu.memory_space<vmem_shared>> -> memref<1x256x1024xf32, #tpu.memory_space<vmem_shared>>
    %dma_wait3A_97 = tpu.memref_squeeze %dma_wait3A_96 : memref<1x256x1024xf32, #tpu.memory_space<vmem_shared>> -> memref<256x1024xf32, #tpu.memory_space<vmem_shared>>
    %dma_wait3A_98 = arith.constant 0 : i32
    %dma_wait3A_99 = tpu.memref_slice %arg1[%add3A_14, %dma_wait3A_98] : memref<4096x1024xf32, #tpu.memory_space<hbm>> -> memref<256x1024xf32, #tpu.memory_space<hbm>>
    tpu.wait_dma2 semaphore(%dma_wait3A_93 : memref<!tpu.dma_semaphore, #tpu.memory_space<semaphore_mem>>) src(%dma_wait3A_99 : memref<256x1024xf32, #tpu.memory_space<hbm>>) dst(%dma_wait3A_97 : memref<256x1024xf32, #tpu.memory_space<vmem_shared>>)
    %add3A_100 = arith.constant 256 : i32
    %add3A_101 = arith.addi %add3A_1, %add3A_100 : i32
    %dma_start3A_102 = arith.constant 1 : i32
    %dma_start3A_103 = arith.constant 0 : i32
    %dma_start3A_104 = arith.constant 1 : i32
    %dma_start3A_105 = tpu.memref_slice %arg5[%dma_start3A_104] : memref<2x!tpu.dma_semaphore, #tpu.memory_space<semaphore_mem>> -> memref<1x!tpu.dma_semaphore, #tpu.memory_space<semaphore_mem>>
    %dma_start3A_106 = tpu.memref_squeeze %dma_start3A_105 : memref<1x!tpu.dma_semaphore, #tpu.memory_space<semaphore_mem>> -> memref<!tpu.dma_semaphore, #tpu.memory_space<semaphore_mem>>
    %dma_start3A_107 = arith.constant 0 : i32
    %dma_start3A_108 = tpu.memref_slice %arg2[%dma_start3A_103, %add3A_101, %dma_start3A_107] : memref<4x4096x1024xf32, #tpu.memory_space<hbm>> -> memref<1x256x1024xf32, #tpu.memory_space<hbm>>
    %dma_start3A_109 = tpu.memref_squeeze %dma_start3A_108 : memref<1x256x1024xf32, #tpu.memory_space<hbm>> -> memref<256x1024xf32, #tpu.memory_space<hbm>>
    %dma_start3A_110 = arith.constant 0 : i32
    %dma_start3A_111 = arith.constant 0 : i32
    %dma_start3A_112 = tpu.memref_slice %arg3[%dma_start3A_102, %dma_start3A_110, %dma_start3A_111] : memref<2x256x1024xf32, #tpu.memory_space<vmem_shared>> -> memref<1x256x1024xf32, #tpu.memory_space<vmem_shared>>
    %dma_start3A_113 = tpu.memref_squeeze %dma_start3A_112 : memref<1x256x1024xf32, #tpu.memory_space<vmem_shared>> -> memref<256x1024xf32, #tpu.memory_space<vmem_shared>>
    tpu.enqueue_dma source(%dma_start3A_113 : memref<256x1024xf32, #tpu.memory_space<vmem_shared>>) target(%dma_start3A_109 : memref<256x1024xf32, #tpu.memory_space<hbm>>) target_semaphore(%dma_start3A_106 : memref<!tpu.dma_semaphore, #tpu.memory_space<semaphore_mem>>)
    %add3A_114 = arith.constant 256 : i32
    %add3A_115 = arith.addi %add3A_1, %add3A_114 : i32
    %dma_start3A_116 = arith.constant 1 : i32
    %dma_start3A_117 = arith.constant 1 : i32
    %dma_start3A_118 = arith.constant 1 : i32
    %dma_start3A_119 = tpu.memref_slice %arg5[%dma_start3A_118] : memref<2x!tpu.dma_semaphore, #tpu.memory_space<semaphore_mem>> -> memref<1x!tpu.dma_semaphore, #tpu.memory_space<semaphore_mem>>
    %dma_start3A_120 = tpu.memref_squeeze %dma_start3A_119 : memref<1x!tpu.dma_semaphore, #tpu.memory_space<semaphore_mem>> -> memref<!tpu.dma_semaphore, #tpu.memory_space<semaphore_mem>>
    %dma_start3A_121 = arith.constant 0 : i32
    %dma_start3A_122 = tpu.memref_slice %arg2[%dma_start3A_117, %add3A_115, %dma_start3A_121] : memref<4x4096x1024xf32, #tpu.memory_space<hbm>> -> memref<1x256x1024xf32, #tpu.memory_space<hbm>>
    %dma_start3A_123 = tpu.memref_squeeze %dma_start3A_122 : memref<1x256x1024xf32, #tpu.memory_space<hbm>> -> memref<256x1024xf32, #tpu.memory_space<hbm>>
    %dma_start3A_124 = arith.constant 0 : i32
    %dma_start3A_125 = arith.constant 0 : i32
    %dma_start3A_126 = tpu.memref_slice %arg3[%dma_start3A_116, %dma_start3A_124, %dma_start3A_125] : memref<2x256x1024xf32, #tpu.memory_space<vmem_shared>> -> memref<1x256x1024xf32, #tpu.memory_space<vmem_shared>>
    %dma_start3A_127 = tpu.memref_squeeze %dma_start3A_126 : memref<1x256x1024xf32, #tpu.memory_space<vmem_shared>> -> memref<256x1024xf32, #tpu.memory_space<vmem_shared>>
    tpu.enqueue_dma source(%dma_start3A_127 : memref<256x1024xf32, #tpu.memory_space<vmem_shared>>) target(%dma_start3A_123 : memref<256x1024xf32, #tpu.memory_space<hbm>>) target_semaphore(%dma_start3A_120 : memref<!tpu.dma_semaphore, #tpu.memory_space<semaphore_mem>>)
    %add3A_128 = arith.constant 256 : i32
    %add3A_129 = arith.addi %add3A_1, %add3A_128 : i32
    %dma_start3A_130 = arith.constant 1 : i32
    %dma_start3A_131 = arith.constant 2 : i32
    %dma_start3A_132 = arith.constant 1 : i32
    %dma_start3A_133 = tpu.memref_slice %arg5[%dma_start3A_132] : memref<2x!tpu.dma_semaphore, #tpu.memory_space<semaphore_mem>> -> memref<1x!tpu.dma_semaphore, #tpu.memory_space<semaphore_mem>>
    %dma_start3A_134 = tpu.memref_squeeze %dma_start3A_133 : memref<1x!tpu.dma_semaphore, #tpu.memory_space<semaphore_mem>> -> memref<!tpu.dma_semaphore, #tpu.memory_space<semaphore_mem>>
    %dma_start3A_135 = arith.constant 0 : i32
    %dma_start3A_136 = tpu.memref_slice %arg2[%dma_start3A_131, %add3A_129, %dma_start3A_135] : memref<4x4096x1024xf32, #tpu.memory_space<hbm>> -> memref<1x256x1024xf32, #tpu.memory_space<hbm>>
    %dma_start3A_137 = tpu.memref_squeeze %dma_start3A_136 : memref<1x256x1024xf32, #tpu.memory_space<hbm>> -> memref<256x1024xf32, #tpu.memory_space<hbm>>
    %dma_start3A_138 = arith.constant 0 : i32
    %dma_start3A_139 = arith.constant 0 : i32
    %dma_start3A_140 = tpu.memref_slice %arg3[%dma_start3A_130, %dma_start3A_138, %dma_start3A_139] : memref<2x256x1024xf32, #tpu.memory_space<vmem_shared>> -> memref<1x256x1024xf32, #tpu.memory_space<vmem_shared>>
    %dma_start3A_141 = tpu.memref_squeeze %dma_start3A_140 : memref<1x256x1024xf32, #tpu.memory_space<vmem_shared>> -> memref<256x1024xf32, #tpu.memory_space<vmem_shared>>
    tpu.enqueue_dma source(%dma_start3A_141 : memref<256x1024xf32, #tpu.memory_space<vmem_shared>>) target(%dma_start3A_137 : memref<256x1024xf32, #tpu.memory_space<hbm>>) target_semaphore(%dma_start3A_134 : memref<!tpu.dma_semaphore, #tpu.memory_space<semaphore_mem>>)
    %add3A_142 = arith.constant 256 : i32
    %add3A_143 = arith.addi %add3A_1, %add3A_142 : i32
    %dma_start3A_144 = arith.constant 1 : i32
    %dma_start3A_145 = arith.constant 3 : i32
    %dma_start3A_146 = arith.constant 1 : i32
    %dma_start3A_147 = tpu.memref_slice %arg5[%dma_start3A_146] : memref<2x!tpu.dma_semaphore, #tpu.memory_space<semaphore_mem>> -> memref<1x!tpu.dma_semaphore, #tpu.memory_space<semaphore_mem>>
    %dma_start3A_148 = tpu.memref_squeeze %dma_start3A_147 : memref<1x!tpu.dma_semaphore, #tpu.memory_space<semaphore_mem>> -> memref<!tpu.dma_semaphore, #tpu.memory_space<semaphore_mem>>
    %dma_start3A_149 = arith.constant 0 : i32
    %dma_start3A_150 = tpu.memref_slice %arg2[%dma_start3A_145, %add3A_143, %dma_start3A_149] : memref<4x4096x1024xf32, #tpu.memory_space<hbm>> -> memref<1x256x1024xf32, #tpu.memory_space<hbm>>
    %dma_start3A_151 = tpu.memref_squeeze %dma_start3A_150 : memref<1x256x1024xf32, #tpu.memory_space<hbm>> -> memref<256x1024xf32, #tpu.memory_space<hbm>>
    %dma_start3A_152 = arith.constant 0 : i32
    %dma_start3A_153 = arith.constant 0 : i32
    %dma_start3A_154 = tpu.memref_slice %arg3[%dma_start3A_144, %dma_start3A_152, %dma_start3A_153] : memref<2x256x1024xf32, #tpu.memory_space<vmem_shared>> -> memref<1x256x1024xf32, #tpu.memory_space<vmem_shared>>
    %dma_start3A_155 = tpu.memref_squeeze %dma_start3A_154 : memref<1x256x1024xf32, #tpu.memory_space<vmem_shared>> -> memref<256x1024xf32, #tpu.memory_space<vmem_shared>>
    tpu.enqueue_dma source(%dma_start3A_155 : memref<256x1024xf32, #tpu.memory_space<vmem_shared>>) target(%dma_start3A_151 : memref<256x1024xf32, #tpu.memory_space<hbm>>) target_semaphore(%dma_start3A_148 : memref<!tpu.dma_semaphore, #tpu.memory_space<semaphore_mem>>)
    %dma_wait3A_156 = arith.constant 0 : i32
    %dma_wait3A_157 = arith.constant 0 : i32
    %dma_wait3A_158 = arith.constant 0 : i32
    %dma_wait3A_159 = tpu.memref_slice %arg5[%dma_wait3A_158] : memref<2x!tpu.dma_semaphore, #tpu.memory_space<semaphore_mem>> -> memref<1x!tpu.dma_semaphore, #tpu.memory_space<semaphore_mem>>
    %dma_wait3A_160 = tpu.memref_squeeze %dma_wait3A_159 : memref<1x!tpu.dma_semaphore, #tpu.memory_space<semaphore_mem>> -> memref<!tpu.dma_semaphore, #tpu.memory_space<semaphore_mem>>
    %dma_wait3A_161 = arith.constant 0 : i32
    %dma_wait3A_162 = tpu.memref_slice %arg2[%dma_wait3A_157, %add3A_35, %dma_wait3A_161] : memref<4x4096x1024xf32, #tpu.memory_space<hbm>> -> memref<1x256x1024xf32, #tpu.memory_space<hbm>>
    %dma_wait3A_163 = tpu.memref_squeeze %dma_wait3A_162 : memref<1x256x1024xf32, #tpu.memory_space<hbm>> -> memref<256x1024xf32, #tpu.memory_space<hbm>>
    %dma_wait3A_164 = arith.constant 0 : i32
    %dma_wait3A_165 = arith.constant 0 : i32
    %dma_wait3A_166 = tpu.memref_slice %arg3[%dma_wait3A_156, %dma_wait3A_164, %dma_wait3A_165] : memref<2x256x1024xf32, #tpu.memory_space<vmem_shared>> -> memref<1x256x1024xf32, #tpu.memory_space<vmem_shared>>
    %dma_wait3A_167 = tpu.memref_squeeze %dma_wait3A_166 : memref<1x256x1024xf32, #tpu.memory_space<vmem_shared>> -> memref<256x1024xf32, #tpu.memory_space<vmem_shared>>
    tpu.wait_dma2 semaphore(%dma_wait3A_160 : memref<!tpu.dma_semaphore, #tpu.memory_space<semaphore_mem>>) src(%dma_wait3A_167 : memref<256x1024xf32, #tpu.memory_space<vmem_shared>>) dst(%dma_wait3A_163 : memref<256x1024xf32, #tpu.memory_space<hbm>>)
    %dma_wait3A_168 = arith.constant 0 : i32
    %dma_wait3A_169 = arith.constant 1 : i32
    %dma_wait3A_170 = arith.constant 0 : i32
    %dma_wait3A_171 = tpu.memref_slice %arg5[%dma_wait3A_170] : memref<2x!tpu.dma_semaphore, #tpu.memory_space<semaphore_mem>> -> memref<1x!tpu.dma_semaphore, #tpu.memory_space<semaphore_mem>>
    %dma_wait3A_172 = tpu.memref_squeeze %dma_wait3A_171 : memref<1x!tpu.dma_semaphore, #tpu.memory_space<semaphore_mem>> -> memref<!tpu.dma_semaphore, #tpu.memory_space<semaphore_mem>>
    %dma_wait3A_173 = arith.constant 0 : i32
    %dma_wait3A_174 = tpu.memref_slice %arg2[%dma_wait3A_169, %add3A_49, %dma_wait3A_173] : memref<4x4096x1024xf32, #tpu.memory_space<hbm>> -> memref<1x256x1024xf32, #tpu.memory_space<hbm>>
    %dma_wait3A_175 = tpu.memref_squeeze %dma_wait3A_174 : memref<1x256x1024xf32, #tpu.memory_space<hbm>> -> memref<256x1024xf32, #tpu.memory_space<hbm>>
    %dma_wait3A_176 = arith.constant 0 : i32
    %dma_wait3A_177 = arith.constant 0 : i32
    %dma_wait3A_178 = tpu.memref_slice %arg3[%dma_wait3A_168, %dma_wait3A_176, %dma_wait3A_177] : memref<2x256x1024xf32, #tpu.memory_space<vmem_shared>> -> memref<1x256x1024xf32, #tpu.memory_space<vmem_shared>>
    %dma_wait3A_179 = tpu.memref_squeeze %dma_wait3A_178 : memref<1x256x1024xf32, #tpu.memory_space<vmem_shared>> -> memref<256x1024xf32, #tpu.memory_space<vmem_shared>>
    tpu.wait_dma2 semaphore(%dma_wait3A_172 : memref<!tpu.dma_semaphore, #tpu.memory_space<semaphore_mem>>) src(%dma_wait3A_179 : memref<256x1024xf32, #tpu.memory_space<vmem_shared>>) dst(%dma_wait3A_175 : memref<256x1024xf32, #tpu.memory_space<hbm>>)
    %dma_wait3A_180 = arith.constant 0 : i32
    %dma_wait3A_181 = arith.constant 2 : i32
    %dma_wait3A_182 = arith.constant 0 : i32
    %dma_wait3A_183 = tpu.memref_slice %arg5[%dma_wait3A_182] : memref<2x!tpu.dma_semaphore, #tpu.memory_space<semaphore_mem>> -> memref<1x!tpu.dma_semaphore, #tpu.memory_space<semaphore_mem>>
    %dma_wait3A_184 = tpu.memref_squeeze %dma_wait3A_183 : memref<1x!tpu.dma_semaphore, #tpu.memory_space<semaphore_mem>> -> memref<!tpu.dma_semaphore, #tpu.memory_space<semaphore_mem>>
    %dma_wait3A_185 = arith.constant 0 : i32
    %dma_wait3A_186 = tpu.memref_slice %arg2[%dma_wait3A_181, %add3A_63, %dma_wait3A_185] : memref<4x4096x1024xf32, #tpu.memory_space<hbm>> -> memref<1x256x1024xf32, #tpu.memory_space<hbm>>
    %dma_wait3A_187 = tpu.memref_squeeze %dma_wait3A_186 : memref<1x256x1024xf32, #tpu.memory_space<hbm>> -> memref<256x1024xf32, #tpu.memory_space<hbm>>
    %dma_wait3A_188 = arith.constant 0 : i32
    %dma_wait3A_189 = arith.constant 0 : i32
    %dma_wait3A_190 = tpu.memref_slice %arg3[%dma_wait3A_180, %dma_wait3A_188, %dma_wait3A_189] : memref<2x256x1024xf32, #tpu.memory_space<vmem_shared>> -> memref<1x256x1024xf32, #tpu.memory_space<vmem_shared>>
    %dma_wait3A_191 = tpu.memref_squeeze %dma_wait3A_190 : memref<1x256x1024xf32, #tpu.memory_space<vmem_shared>> -> memref<256x1024xf32, #tpu.memory_space<vmem_shared>>
    tpu.wait_dma2 semaphore(%dma_wait3A_184 : memref<!tpu.dma_semaphore, #tpu.memory_space<semaphore_mem>>) src(%dma_wait3A_191 : memref<256x1024xf32, #tpu.memory_space<vmem_shared>>) dst(%dma_wait3A_187 : memref<256x1024xf32, #tpu.memory_space<hbm>>)
    %dma_wait3A_192 = arith.constant 0 : i32
    %dma_wait3A_193 = arith.constant 3 : i32
    %dma_wait3A_194 = arith.constant 0 : i32
    %dma_wait3A_195 = tpu.memref_slice %arg5[%dma_wait3A_194] : memref<2x!tpu.dma_semaphore, #tpu.memory_space<semaphore_mem>> -> memref<1x!tpu.dma_semaphore, #tpu.memory_space<semaphore_mem>>
    %dma_wait3A_196 = tpu.memref_squeeze %dma_wait3A_195 : memref<1x!tpu.dma_semaphore, #tpu.memory_space<semaphore_mem>> -> memref<!tpu.dma_semaphore, #tpu.memory_space<semaphore_mem>>
    %dma_wait3A_197 = arith.constant 0 : i32
    %dma_wait3A_198 = tpu.memref_slice %arg2[%dma_wait3A_193, %add3A_77, %dma_wait3A_197] : memref<4x4096x1024xf32, #tpu.memory_space<hbm>> -> memref<1x256x1024xf32, #tpu.memory_space<hbm>>
    %dma_wait3A_199 = tpu.memref_squeeze %dma_wait3A_198 : memref<1x256x1024xf32, #tpu.memory_space<hbm>> -> memref<256x1024xf32, #tpu.memory_space<hbm>>
    %dma_wait3A_200 = arith.constant 0 : i32
    %dma_wait3A_201 = arith.constant 0 : i32
    %dma_wait3A_202 = tpu.memref_slice %arg3[%dma_wait3A_192, %dma_wait3A_200, %dma_wait3A_201] : memref<2x256x1024xf32, #tpu.memory_space<vmem_shared>> -> memref<1x256x1024xf32, #tpu.memory_space<vmem_shared>>
    %dma_wait3A_203 = tpu.memref_squeeze %dma_wait3A_202 : memref<1x256x1024xf32, #tpu.memory_space<vmem_shared>> -> memref<256x1024xf32, #tpu.memory_space<vmem_shared>>
    tpu.wait_dma2 semaphore(%dma_wait3A_196 : memref<!tpu.dma_semaphore, #tpu.memory_space<semaphore_mem>>) src(%dma_wait3A_203 : memref<256x1024xf32, #tpu.memory_space<vmem_shared>>) dst(%dma_wait3A_199 : memref<256x1024xf32, #tpu.memory_space<hbm>>)
    %dma_wait3A_204 = arith.constant 1 : i32
    %dma_wait3A_205 = arith.constant 0 : i32
    %dma_wait3A_206 = arith.constant 1 : i32
    %dma_wait3A_207 = tpu.memref_slice %arg5[%dma_wait3A_206] : memref<2x!tpu.dma_semaphore, #tpu.memory_space<semaphore_mem>> -> memref<1x!tpu.dma_semaphore, #tpu.memory_space<semaphore_mem>>
    %dma_wait3A_208 = tpu.memref_squeeze %dma_wait3A_207 : memref<1x!tpu.dma_semaphore, #tpu.memory_space<semaphore_mem>> -> memref<!tpu.dma_semaphore, #tpu.memory_space<semaphore_mem>>
    %dma_wait3A_209 = arith.constant 0 : i32
    %dma_wait3A_210 = tpu.memref_slice %arg2[%dma_wait3A_205, %add3A_101, %dma_wait3A_209] : memref<4x4096x1024xf32, #tpu.memory_space<hbm>> -> memref<1x256x1024xf32, #tpu.memory_space<hbm>>
    %dma_wait3A_211 = tpu.memref_squeeze %dma_wait3A_210 : memref<1x256x1024xf32, #tpu.memory_space<hbm>> -> memref<256x1024xf32, #tpu.memory_space<hbm>>
    %dma_wait3A_212 = arith.constant 0 : i32
    %dma_wait3A_213 = arith.constant 0 : i32
    %dma_wait3A_214 = tpu.memref_slice %arg3[%dma_wait3A_204, %dma_wait3A_212, %dma_wait3A_213] : memref<2x256x1024xf32, #tpu.memory_space<vmem_shared>> -> memref<1x256x1024xf32, #tpu.memory_space<vmem_shared>>
    %dma_wait3A_215 = tpu.memref_squeeze %dma_wait3A_214 : memref<1x256x1024xf32, #tpu.memory_space<vmem_shared>> -> memref<256x1024xf32, #tpu.memory_space<vmem_shared>>
    tpu.wait_dma2 semaphore(%dma_wait3A_208 : memref<!tpu.dma_semaphore, #tpu.memory_space<semaphore_mem>>) src(%dma_wait3A_215 : memref<256x1024xf32, #tpu.memory_space<vmem_shared>>) dst(%dma_wait3A_211 : memref<256x1024xf32, #tpu.memory_space<hbm>>)
    %dma_wait3A_216 = arith.constant 1 : i32
    %dma_wait3A_217 = arith.constant 1 : i32
    %dma_wait3A_218 = arith.constant 1 : i32
    %dma_wait3A_219 = tpu.memref_slice %arg5[%dma_wait3A_218] : memref<2x!tpu.dma_semaphore, #tpu.memory_space<semaphore_mem>> -> memref<1x!tpu.dma_semaphore, #tpu.memory_space<semaphore_mem>>
    %dma_wait3A_220 = tpu.memref_squeeze %dma_wait3A_219 : memref<1x!tpu.dma_semaphore, #tpu.memory_space<semaphore_mem>> -> memref<!tpu.dma_semaphore, #tpu.memory_space<semaphore_mem>>
    %dma_wait3A_221 = arith.constant 0 : i32
    %dma_wait3A_222 = tpu.memref_slice %arg2[%dma_wait3A_217, %add3A_115, %dma_wait3A_221] : memref<4x4096x1024xf32, #tpu.memory_space<hbm>> -> memref<1x256x1024xf32, #tpu.memory_space<hbm>>
    %dma_wait3A_223 = tpu.memref_squeeze %dma_wait3A_222 : memref<1x256x1024xf32, #tpu.memory_space<hbm>> -> memref<256x1024xf32, #tpu.memory_space<hbm>>
    %dma_wait3A_224 = arith.constant 0 : i32
    %dma_wait3A_225 = arith.constant 0 : i32
    %dma_wait3A_226 = tpu.memref_slice %arg3[%dma_wait3A_216, %dma_wait3A_224, %dma_wait3A_225] : memref<2x256x1024xf32, #tpu.memory_space<vmem_shared>> -> memref<1x256x1024xf32, #tpu.memory_space<vmem_shared>>
    %dma_wait3A_227 = tpu.memref_squeeze %dma_wait3A_226 : memref<1x256x1024xf32, #tpu.memory_space<vmem_shared>> -> memref<256x1024xf32, #tpu.memory_space<vmem_shared>>
    tpu.wait_dma2 semaphore(%dma_wait3A_220 : memref<!tpu.dma_semaphore, #tpu.memory_space<semaphore_mem>>) src(%dma_wait3A_227 : memref<256x1024xf32, #tpu.memory_space<vmem_shared>>) dst(%dma_wait3A_223 : memref<256x1024xf32, #tpu.memory_space<hbm>>)
    %dma_wait3A_228 = arith.constant 1 : i32
    %dma_wait3A_229 = arith.constant 2 : i32
    %dma_wait3A_230 = arith.constant 1 : i32
    %dma_wait3A_231 = tpu.memref_slice %arg5[%dma_wait3A_230] : memref<2x!tpu.dma_semaphore, #tpu.memory_space<semaphore_mem>> -> memref<1x!tpu.dma_semaphore, #tpu.memory_space<semaphore_mem>>
    %dma_wait3A_232 = tpu.memref_squeeze %dma_wait3A_231 : memref<1x!tpu.dma_semaphore, #tpu.memory_space<semaphore_mem>> -> memref<!tpu.dma_semaphore, #tpu.memory_space<semaphore_mem>>
    %dma_wait3A_233 = arith.constant 0 : i32
    %dma_wait3A_234 = tpu.memref_slice %arg2[%dma_wait3A_229, %add3A_129, %dma_wait3A_233] : memref<4x4096x1024xf32, #tpu.memory_space<hbm>> -> memref<1x256x1024xf32, #tpu.memory_space<hbm>>
    %dma_wait3A_235 = tpu.memref_squeeze %dma_wait3A_234 : memref<1x256x1024xf32, #tpu.memory_space<hbm>> -> memref<256x1024xf32, #tpu.memory_space<hbm>>
    %dma_wait3A_236 = arith.constant 0 : i32
    %dma_wait3A_237 = arith.constant 0 : i32
    %dma_wait3A_238 = tpu.memref_slice %arg3[%dma_wait3A_228, %dma_wait3A_236, %dma_wait3A_237] : memref<2x256x1024xf32, #tpu.memory_space<vmem_shared>> -> memref<1x256x1024xf32, #tpu.memory_space<vmem_shared>>
    %dma_wait3A_239 = tpu.memref_squeeze %dma_wait3A_238 : memref<1x256x1024xf32, #tpu.memory_space<vmem_shared>> -> memref<256x1024xf32, #tpu.memory_space<vmem_shared>>
    tpu.wait_dma2 semaphore(%dma_wait3A_232 : memref<!tpu.dma_semaphore, #tpu.memory_space<semaphore_mem>>) src(%dma_wait3A_239 : memref<256x1024xf32, #tpu.memory_space<vmem_shared>>) dst(%dma_wait3A_235 : memref<256x1024xf32, #tpu.memory_space<hbm>>)
    %dma_wait3A_240 = arith.constant 1 : i32
    %dma_wait3A_241 = arith.constant 3 : i32
    %dma_wait3A_242 = arith.constant 1 : i32
    %dma_wait3A_243 = tpu.memref_slice %arg5[%dma_wait3A_242] : memref<2x!tpu.dma_semaphore, #tpu.memory_space<semaphore_mem>> -> memref<1x!tpu.dma_semaphore, #tpu.memory_space<semaphore_mem>>
    %dma_wait3A_244 = tpu.memref_squeeze %dma_wait3A_243 : memref<1x!tpu.dma_semaphore, #tpu.memory_space<semaphore_mem>> -> memref<!tpu.dma_semaphore, #tpu.memory_space<semaphore_mem>>
    %dma_wait3A_245 = arith.constant 0 : i32
    %dma_wait3A_246 = tpu.memref_slice %arg2[%dma_wait3A_241, %add3A_143, %dma_wait3A_245] : memref<4x4096x1024xf32, #tpu.memory_space<hbm>> -> memref<1x256x1024xf32, #tpu.memory_space<hbm>>
    %dma_wait3A_247 = tpu.memref_squeeze %dma_wait3A_246 : memref<1x256x1024xf32, #tpu.memory_space<hbm>> -> memref<256x1024xf32, #tpu.memory_space<hbm>>
    %dma_wait3A_248 = arith.constant 0 : i32
    %dma_wait3A_249 = arith.constant 0 : i32
    %dma_wait3A_250 = tpu.memref_slice %arg3[%dma_wait3A_240, %dma_wait3A_248, %dma_wait3A_249] : memref<2x256x1024xf32, #tpu.memory_space<vmem_shared>> -> memref<1x256x1024xf32, #tpu.memory_space<vmem_shared>>
    %dma_wait3A_251 = tpu.memref_squeeze %dma_wait3A_250 : memref<1x256x1024xf32, #tpu.memory_space<vmem_shared>> -> memref<256x1024xf32, #tpu.memory_space<vmem_shared>>
    tpu.wait_dma2 semaphore(%dma_wait3A_244 : memref<!tpu.dma_semaphore, #tpu.memory_space<semaphore_mem>>) src(%dma_wait3A_251 : memref<256x1024xf32, #tpu.memory_space<vmem_shared>>) dst(%dma_wait3A_247 : memref<256x1024xf32, #tpu.memory_space<hbm>>)
    return
  }
  func.func @vector_body(%arg0: i32, %arg1: i32, %arg2: memref<4096x1024xf32, #tpu.memory_space<hbm>>, %arg3: memref<4x4096x1024xf32, #tpu.memory_space<hbm>>, %arg4: memref<2x256x1024xf32, #tpu.memory_space<vmem_shared>>, %arg5: memref<2x!tpu.dma_semaphore, #tpu.memory_space<semaphore_mem, sc_scalar_subcore>>, %arg6: memref<2x!tpu.dma_semaphore, #tpu.memory_space<semaphore_mem, sc_scalar_subcore>>, %arg7: memref<96x1024xf32, #tpu.memory_space<vmem>>, %arg8: memref<!tpu.dma_semaphore, #tpu.memory_space<semaphore_mem>>) attributes {dimension_semantics = [#tpu.dimension_semantics<core_parallel>, #tpu.dimension_semantics<subcore_parallel>], iteration_bounds = array<i64: 2, 16>, scalar_prefetch = 0 : i64, scratch_operands = 5 : i64, tpu.core_type = #tpu.core_type<sc_vector_subcore>, window_params = [{transform_indices = #map2}, {transform_indices = #map3}]} {
    %mul3A = arith.constant 2 : i32
    %mul3A_0 = arith.muli %arg1, %mul3A : i32
    %add3A = arith.addi %mul3A_0, %arg0 : i32
    %mul3A_1 = arith.constant 96 : i32
    %mul3A_2 = arith.muli %add3A, %mul3A_1 : i32
    "tpu.region"() ({
      %run_scoped3A = tpu.sem_alloc : memref<!tpu.dma_semaphore, #tpu.memory_space<semaphore_mem>>
      %dma_start3A_57 = arith.constant 0 : i32
      %dma_start3A_58 = tpu.memref_slice %arg2[%mul3A_2, %dma_start3A_57] : memref<4096x1024xf32, #tpu.memory_space<hbm>> -> memref<96x1024xf32, #tpu.memory_space<hbm>>
      %dma_start3A_59 = arith.constant 0 : i32
      %dma_start3A_60 = tpu.memref_slice %arg2[%mul3A_2, %dma_start3A_59] : memref<4096x1024xf32, #tpu.memory_space<hbm>> -> memref<96x1024xf32, #tpu.memory_space<hbm>>
      tpu.enqueue_dma source(%dma_start3A_60 : memref<96x1024xf32, #tpu.memory_space<hbm>>) target(%arg7 : memref<96x1024xf32, #tpu.memory_space<vmem>>) target_semaphore(%run_scoped3A : memref<!tpu.dma_semaphore, #tpu.memory_space<semaphore_mem>>)
      %dma_wait3A_61 = arith.constant 0 : i32
      %dma_wait3A_62 = tpu.memref_slice %arg2[%mul3A_2, %dma_wait3A_61] : memref<4096x1024xf32, #tpu.memory_space<hbm>> -> memref<96x1024xf32, #tpu.memory_space<hbm>>
      %dma_wait3A_63 = arith.constant 0 : i32
      %dma_wait3A_64 = tpu.memref_slice %arg2[%mul3A_2, %dma_wait3A_63] : memref<4096x1024xf32, #tpu.memory_space<hbm>> -> memref<96x1024xf32, #tpu.memory_space<hbm>>
      tpu.wait_dma2 semaphore(%run_scoped3A : memref<!tpu.dma_semaphore, #tpu.memory_space<semaphore_mem>>) src(%dma_wait3A_64 : memref<96x1024xf32, #tpu.memory_space<hbm>>) dst(%arg7 : memref<96x1024xf32, #tpu.memory_space<vmem>>)
      tpu.yield
    }) : () -> ()
    %dma_start3A = arith.constant 0 : i32
    %dma_start3A_3 = arith.constant 0 : i32
    %dma_start3A_4 = tpu.memref_slice %arg3[%dma_start3A, %mul3A_2, %dma_start3A_3] : memref<4x4096x1024xf32, #tpu.memory_space<hbm>> -> memref<1x96x1024xf32, #tpu.memory_space<hbm>>
    %dma_start3A_5 = tpu.memref_squeeze %dma_start3A_4 : memref<1x96x1024xf32, #tpu.memory_space<hbm>> -> memref<96x1024xf32, #tpu.memory_space<hbm>>
    %dma_start3A_6 = arith.constant 0 : i32
    %dma_start3A_7 = tpu.memref_slice %arg3[%dma_start3A, %mul3A_2, %dma_start3A_6] : memref<4x4096x1024xf32, #tpu.memory_space<hbm>> -> memref<1x96x1024xf32, #tpu.memory_space<hbm>>
    %dma_start3A_8 = tpu.memref_squeeze %dma_start3A_7 : memref<1x96x1024xf32, #tpu.memory_space<hbm>> -> memref<96x1024xf32, #tpu.memory_space<hbm>>
    tpu.enqueue_dma source(%arg7 : memref<96x1024xf32, #tpu.memory_space<vmem>>) target(%dma_start3A_8 : memref<96x1024xf32, #tpu.memory_space<hbm>>) target_semaphore(%arg8 : memref<!tpu.dma_semaphore, #tpu.memory_space<semaphore_mem>>)
    %dma_start3A_9 = arith.constant 1 : i32
    %dma_start3A_10 = arith.constant 0 : i32
    %dma_start3A_11 = tpu.memref_slice %arg3[%dma_start3A_9, %mul3A_2, %dma_start3A_10] : memref<4x4096x1024xf32, #tpu.memory_space<hbm>> -> memref<1x96x1024xf32, #tpu.memory_space<hbm>>
    %dma_start3A_12 = tpu.memref_squeeze %dma_start3A_11 : memref<1x96x1024xf32, #tpu.memory_space<hbm>> -> memref<96x1024xf32, #tpu.memory_space<hbm>>
    %dma_start3A_13 = arith.constant 0 : i32
    %dma_start3A_14 = tpu.memref_slice %arg3[%dma_start3A_9, %mul3A_2, %dma_start3A_13] : memref<4x4096x1024xf32, #tpu.memory_space<hbm>> -> memref<1x96x1024xf32, #tpu.memory_space<hbm>>
    %dma_start3A_15 = tpu.memref_squeeze %dma_start3A_14 : memref<1x96x1024xf32, #tpu.memory_space<hbm>> -> memref<96x1024xf32, #tpu.memory_space<hbm>>
    tpu.enqueue_dma source(%arg7 : memref<96x1024xf32, #tpu.memory_space<vmem>>) target(%dma_start3A_15 : memref<96x1024xf32, #tpu.memory_space<hbm>>) target_semaphore(%arg8 : memref<!tpu.dma_semaphore, #tpu.memory_space<semaphore_mem>>)
    %dma_start3A_16 = arith.constant 2 : i32
    %dma_start3A_17 = arith.constant 0 : i32
    %dma_start3A_18 = tpu.memref_slice %arg3[%dma_start3A_16, %mul3A_2, %dma_start3A_17] : memref<4x4096x1024xf32, #tpu.memory_space<hbm>> -> memref<1x96x1024xf32, #tpu.memory_space<hbm>>
    %dma_start3A_19 = tpu.memref_squeeze %dma_start3A_18 : memref<1x96x1024xf32, #tpu.memory_space<hbm>> -> memref<96x1024xf32, #tpu.memory_space<hbm>>
    %dma_start3A_20 = arith.constant 0 : i32
    %dma_start3A_21 = tpu.memref_slice %arg3[%dma_start3A_16, %mul3A_2, %dma_start3A_20] : memref<4x4096x1024xf32, #tpu.memory_space<hbm>> -> memref<1x96x1024xf32, #tpu.memory_space<hbm>>
    %dma_start3A_22 = tpu.memref_squeeze %dma_start3A_21 : memref<1x96x1024xf32, #tpu.memory_space<hbm>> -> memref<96x1024xf32, #tpu.memory_space<hbm>>
    tpu.enqueue_dma source(%arg7 : memref<96x1024xf32, #tpu.memory_space<vmem>>) target(%dma_start3A_22 : memref<96x1024xf32, #tpu.memory_space<hbm>>) target_semaphore(%arg8 : memref<!tpu.dma_semaphore, #tpu.memory_space<semaphore_mem>>)
    %dma_start3A_23 = arith.constant 3 : i32
    %dma_start3A_24 = arith.constant 0 : i32
    %dma_start3A_25 = tpu.memref_slice %arg3[%dma_start3A_23, %mul3A_2, %dma_start3A_24] : memref<4x4096x1024xf32, #tpu.memory_space<hbm>> -> memref<1x96x1024xf32, #tpu.memory_space<hbm>>
    %dma_start3A_26 = tpu.memref_squeeze %dma_start3A_25 : memref<1x96x1024xf32, #tpu.memory_space<hbm>> -> memref<96x1024xf32, #tpu.memory_space<hbm>>
    %dma_start3A_27 = arith.constant 0 : i32
    %dma_start3A_28 = tpu.memref_slice %arg3[%dma_start3A_23, %mul3A_2, %dma_start3A_27] : memref<4x4096x1024xf32, #tpu.memory_space<hbm>> -> memref<1x96x1024xf32, #tpu.memory_space<hbm>>
    %dma_start3A_29 = tpu.memref_squeeze %dma_start3A_28 : memref<1x96x1024xf32, #tpu.memory_space<hbm>> -> memref<96x1024xf32, #tpu.memory_space<hbm>>
    tpu.enqueue_dma source(%arg7 : memref<96x1024xf32, #tpu.memory_space<vmem>>) target(%dma_start3A_29 : memref<96x1024xf32, #tpu.memory_space<hbm>>) target_semaphore(%arg8 : memref<!tpu.dma_semaphore, #tpu.memory_space<semaphore_mem>>)
    %dma_wait3A = arith.constant 0 : i32
    %dma_wait3A_30 = arith.constant 0 : i32
    %dma_wait3A_31 = tpu.memref_slice %arg3[%dma_wait3A, %mul3A_2, %dma_wait3A_30] : memref<4x4096x1024xf32, #tpu.memory_space<hbm>> -> memref<1x96x1024xf32, #tpu.memory_space<hbm>>
    %dma_wait3A_32 = tpu.memref_squeeze %dma_wait3A_31 : memref<1x96x1024xf32, #tpu.memory_space<hbm>> -> memref<96x1024xf32, #tpu.memory_space<hbm>>
    %dma_wait3A_33 = arith.constant 0 : i32
    %dma_wait3A_34 = tpu.memref_slice %arg3[%dma_wait3A, %mul3A_2, %dma_wait3A_33] : memref<4x4096x1024xf32, #tpu.memory_space<hbm>> -> memref<1x96x1024xf32, #tpu.memory_space<hbm>>
    %dma_wait3A_35 = tpu.memref_squeeze %dma_wait3A_34 : memref<1x96x1024xf32, #tpu.memory_space<hbm>> -> memref<96x1024xf32, #tpu.memory_space<hbm>>
    tpu.wait_dma2 semaphore(%arg8 : memref<!tpu.dma_semaphore, #tpu.memory_space<semaphore_mem>>) src(%arg7 : memref<96x1024xf32, #tpu.memory_space<vmem>>) dst(%dma_wait3A_35 : memref<96x1024xf32, #tpu.memory_space<hbm>>)
    %dma_wait3A_36 = arith.constant 1 : i32
    %dma_wait3A_37 = arith.constant 0 : i32
    %dma_wait3A_38 = tpu.memref_slice %arg3[%dma_wait3A_36, %mul3A_2, %dma_wait3A_37] : memref<4x4096x1024xf32, #tpu.memory_space<hbm>> -> memref<1x96x1024xf32, #tpu.memory_space<hbm>>
    %dma_wait3A_39 = tpu.memref_squeeze %dma_wait3A_38 : memref<1x96x1024xf32, #tpu.memory_space<hbm>> -> memref<96x1024xf32, #tpu.memory_space<hbm>>
    %dma_wait3A_40 = arith.constant 0 : i32
    %dma_wait3A_41 = tpu.memref_slice %arg3[%dma_wait3A_36, %mul3A_2, %dma_wait3A_40] : memref<4x4096x1024xf32, #tpu.memory_space<hbm>> -> memref<1x96x1024xf32, #tpu.memory_space<hbm>>
    %dma_wait3A_42 = tpu.memref_squeeze %dma_wait3A_41 : memref<1x96x1024xf32, #tpu.memory_space<hbm>> -> memref<96x1024xf32, #tpu.memory_space<hbm>>
    tpu.wait_dma2 semaphore(%arg8 : memref<!tpu.dma_semaphore, #tpu.memory_space<semaphore_mem>>) src(%arg7 : memref<96x1024xf32, #tpu.memory_space<vmem>>) dst(%dma_wait3A_42 : memref<96x1024xf32, #tpu.memory_space<hbm>>)
    %dma_wait3A_43 = arith.constant 2 : i32
    %dma_wait3A_44 = arith.constant 0 : i32
    %dma_wait3A_45 = tpu.memref_slice %arg3[%dma_wait3A_43, %mul3A_2, %dma_wait3A_44] : memref<4x4096x1024xf32, #tpu.memory_space<hbm>> -> memref<1x96x1024xf32, #tpu.memory_space<hbm>>
    %dma_wait3A_46 = tpu.memref_squeeze %dma_wait3A_45 : memref<1x96x1024xf32, #tpu.memory_space<hbm>> -> memref<96x1024xf32, #tpu.memory_space<hbm>>
    %dma_wait3A_47 = arith.constant 0 : i32
    %dma_wait3A_48 = tpu.memref_slice %arg3[%dma_wait3A_43, %mul3A_2, %dma_wait3A_47] : memref<4x4096x1024xf32, #tpu.memory_space<hbm>> -> memref<1x96x1024xf32, #tpu.memory_space<hbm>>
    %dma_wait3A_49 = tpu.memref_squeeze %dma_wait3A_48 : memref<1x96x1024xf32, #tpu.memory_space<hbm>> -> memref<96x1024xf32, #tpu.memory_space<hbm>>
    tpu.wait_dma2 semaphore(%arg8 : memref<!tpu.dma_semaphore, #tpu.memory_space<semaphore_mem>>) src(%arg7 : memref<96x1024xf32, #tpu.memory_space<vmem>>) dst(%dma_wait3A_49 : memref<96x1024xf32, #tpu.memory_space<hbm>>)
    %dma_wait3A_50 = arith.constant 3 : i32
    %dma_wait3A_51 = arith.constant 0 : i32
    %dma_wait3A_52 = tpu.memref_slice %arg3[%dma_wait3A_50, %mul3A_2, %dma_wait3A_51] : memref<4x4096x1024xf32, #tpu.memory_space<hbm>> -> memref<1x96x1024xf32, #tpu.memory_space<hbm>>
    %dma_wait3A_53 = tpu.memref_squeeze %dma_wait3A_52 : memref<1x96x1024xf32, #tpu.memory_space<hbm>> -> memref<96x1024xf32, #tpu.memory_space<hbm>>
    %dma_wait3A_54 = arith.constant 0 : i32
    %dma_wait3A_55 = tpu.memref_slice %arg3[%dma_wait3A_50, %mul3A_2, %dma_wait3A_54] : memref<4x4096x1024xf32, #tpu.memory_space<hbm>> -> memref<1x96x1024xf32, #tpu.memory_space<hbm>>
    %dma_wait3A_56 = tpu.memref_squeeze %dma_wait3A_55 : memref<1x96x1024xf32, #tpu.memory_space<hbm>> -> memref<96x1024xf32, #tpu.memory_space<hbm>>
    tpu.wait_dma2 semaphore(%arg8 : memref<!tpu.dma_semaphore, #tpu.memory_space<semaphore_mem>>) src(%arg7 : memref<96x1024xf32, #tpu.memory_space<vmem>>) dst(%dma_wait3A_56 : memref<96x1024xf32, #tpu.memory_space<hbm>>)
    return
  }
}

</mosaic_0001>

<sc_bundles>
// kernel: kernel.3.cloned.1.call-start
scs
__scs_entry_jumppad:
0x0: {  	(pc) =	sbr.rel $0x88, $3  }
0x1: {  	(tag) =	ssettag $0x0;
	lr =	simm.s32 $0x1  }
0x2: {  	[smem:$0x3FA0] =	sst lr;
	_ =	strace $0xD0000000  }
0x3: {  	_ = 	snop  }
0x4: {  	_ = 	snop  }
0x5: {  	_ = 	snop  }
0x6: {  	_ = 	snop  }
0x7: {  	_ = 	snop  }
__scs_overlays_trampoline_lowered:
0x8: {  	[smem:$0x3FAF] =	sst s0  }
0x9: {  	[smem:$0x3FB0] =	sst s1  }
0xa: {  	[smem:$0x3FB1] =	sst s2  }
0xb: {  	[smem:$0x3FB2] =	sst s3  }
0xc: {  	[smem:$0x3FB3] =	sst s4  }
0xd: {  	[smem:$0x3FB4] =	sst s5  }
0xe: {  	[smem:$0x3FB5] =	sst s6  }
0xf: {  	[smem:$0x3FB6] =	sst s7  }
0x10: {  	[smem:$0x3FB7] =	sst s8  }
0x11: {  	[smem:$0x3FB8] =	sst s9;
	s0 =	simm.s32 @!p0 $0x0  }
0x12: {  	s1 =	sld [smem:$0x3F9E];
	s0 =	simm.s32 @p0 $0x1  }
0x13: {  	[smem:$0x3FB9] =	sst s0;
	s0 =	simm.s32 @!p1 $0x0  }
0x14: {  	s2 =	sld [smem:$0x3F9D];
	s0 =	simm.s32 @p1 $0x1  }
0x15: {  	[smem:$0x3FBA] =	sst s0;
	s0 =	simm.s32 @!p2 $0x0  }
0x16: {  	s3 =	sld [smem:$0x3FDB];
	s0 =	simm.s32 @p2 $0x1  }
0x17: {  	s4 =	simm.s32 $0x1BF5;
	[smem:$0x3FBC] =	sst s0  }
0x18: {  	s0 =	sld [smem:$0x3F9F];
	_ =	swait.ge [sflag:s4], $0x0  }
0x19: {  	s7 =	sld [smem:$0x3FA0]  }
0x1a: {  	s8 =	sadd.s32 $0xFFFFE003, lr  }
0x1b: {  	s9 =	sadd.s32 $0xFFFFFEF7, lr;
	s5 =	simm.s32 $0xFFFFFFFF;
	p2 =	slt.u32 s8, $0xFFFFF086  }
0x1c: {  	p1 =	slt.u32 s9, $0xF7A;
	s5 =	simm.s32 @!p2 $0x0  }
0x1d: {  	s5 =	simm.s32 @p1 $0x1;
	p0 =	seq.s32 s7, s2  }
0x1e: {  	s7 =	smul.u32 @!p0 $0xF7A, s2;
	p2 =	seq.s32 @!p0 s5, $0x0  }
0x1f: {  	s9 =	smul.u32 $0xF7A, s1;
	s8 =	simm.s32 @!p0 $0x1BF5;
	p2 =	por !p2, p0  }
0x20: {  	[sflag:s8] =	ssyncset.s32 @!p0 $0xFFFFF086;
	s6 =	sadd.s32 @!p0 s3, s7;
	s7 =	simm.s32 @!p0 $0x108  }
0x21: {  	s3 =	sadd.s32 s3, s9;
	s6 =	sadd.s32 @!p0 $0x88, s6;
	s7 =	simm.s32 @p2 $0x1082  }
0x22: {  	[simem:s7], [sflag:s8] =	dma.local @!p0 [hbm:s6], $0xF7A  }
0x23: {  	s9 =	sor.u32 $0xD0000000, s2;
	s6 =	simm.s32 $0x108;
	_ =	swait.ge @!p0 [sflag:s8], $0x0  }
0x24: {  	s3 =	sadd.s32 $0x88, s3;
	s6 =	simm.s32 @!p1 $0x1082;
	[sflag:s4] =	ssyncset.s32 $0xFFFFF086  }
0x25: {  	[simem:s6], [sflag:s4] =	dma.local [hbm:s3], $0xF7A  }
0x26: {  	[smem:$0x3FA0] =	sst s1;
	(tag) =	ssettag s2;
	_ =	strace s9  }
0x27: {  	s1 =	sld [smem:$0x3FB0]  }
0x28: {  	s2 =	sld [smem:$0x3FB1]  }
0x29: {  	s4 =	sld [smem:$0x3FB3]  }
0x2a: {  	p0 =	seq.s32 s5, $0x0;
	s5 =	sld [smem:$0x3FB4]  }
0x2b: {  	s6 =	sld [smem:$0x3FB5]  }
0x2c: {  	s7 =	sld [smem:$0x3FB6]  }
0x2d: {  	s3 =	simm.s32 $0x108;
	s8 =	sld [smem:$0x3FB7]  }
0x2e: {  	s3 =	simm.s32 @!p0 $0x1082;
	s9 =	sld [smem:$0x3FB8]  }
0x2f: {  	lr =	sadd.s32 s0, s3;
	s0 =	sld [smem:$0x3FAF]  }
0x30: {  	s3 =	sld [smem:$0x3FB2]  }
0x31: {  	[smem:$0x3FBB] =	sst s10  }
0x32: {  	s10 =	sld [smem:$0x3FB9];
	_ =	sdelay $0x3  }
0x33: {  	p0 =	seq.s32 s10, $0x1;
	s10 =	sld [smem:$0x3FBB];
	_ =	sdelay $0x3  }
0x34: {  	[smem:$0x3FBB] =	sst s10  }
0x35: {  	s10 =	sld [smem:$0x3FBA];
	_ =	sdelay $0x3  }
0x36: {  	p1 =	seq.s32 s10, $0x1;
	s10 =	sld [smem:$0x3FBB];
	_ =	sdelay $0x3  }
0x37: {  	[smem:$0x3FBB] =	sst s10  }
0x38: {  	s10 =	sld [smem:$0x3FBC]  }
0x39: {  	_ = 	snop;
	(pc) =	sbr.ind lr, $3  }
0x3a: {  	_ = 	snop  }
0x3b: {  	_ = 	snop  }
0x3c: {  	p2 =	seq.s32 s10, $0x1;
	s10 =	sld [smem:$0x3FBB]  }
0x3d: {  	_ =	shalt  }
0x3e: {  	_ =	shalt  }
0x3f: {  	_ =	shalt  }
0x40: {  	_ =	shalt  }
0x41: {  	_ =	shalt  }
0x42: {  	_ =	shalt  }
0x43: {  	_ =	shalt  }
0x44: {  	_ =	shalt  }
0x45: {  	_ =	shalt  }
0x46: {  	_ =	shalt  }
0x47: {  	_ =	shalt  }
0x48: {  	_ =	shalt  }
0x49: {  	_ =	shalt  }
0x4a: {  	_ =	shalt  }
0x4b: {  	_ =	shalt  }
0x4c: {  	_ =	shalt  }
0x4d: {  	_ =	shalt  }
0x4e: {  	_ =	shalt  }
0x4f: {  	_ =	shalt  }
0x50: {  	_ =	shalt  }
0x51: {  	_ =	shalt  }
0x52: {  	_ =	shalt  }
0x53: {  	_ =	shalt  }
0x54: {  	_ =	shalt  }
0x55: {  	_ =	shalt  }
0x56: {  	_ =	shalt  }
0x57: {  	_ =	shalt  }
0x58: {  	_ =	shalt  }
0x59: {  	_ =	shalt  }
0x5a: {  	_ =	shalt  }
0x5b: {  	_ =	shalt  }
0x5c: {  	_ =	shalt  }
0x5d: {  	_ =	shalt  }
0x5e: {  	_ =	shalt  }
0x5f: {  	_ =	shalt  }
0x60: {  	_ =	shalt  }
0x61: {  	_ =	shalt  }
0x62: {  	_ =	shalt  }
0x63: {  	_ =	shalt  }
0x64: {  	_ =	shalt  }
0x65: {  	_ =	shalt  }
0x66: {  	_ =	shalt  }
0x67: {  	_ =	shalt  }
0x68: {  	_ =	shalt  }
0x69: {  	_ =	shalt  }
0x6a: {  	_ =	shalt  }
0x6b: {  	_ =	shalt  }
0x6c: {  	_ =	shalt  }
0x6d: {  	_ =	shalt  }
0x6e: {  	_ =	shalt  }
0x6f: {  	_ =	shalt  }
0x70: {  	_ =	shalt  }
0x71: {  	_ =	shalt  }
0x72: {  	_ =	shalt  }
0x73: {  	_ =	shalt  }
0x74: {  	_ =	shalt  }
0x75: {  	_ =	shalt  }
0x76: {  	_ =	shalt  }
0x77: {  	_ =	shalt  }
0x78: {  	_ =	shalt  }
0x79: {  	_ =	shalt  }
0x7a: {  	_ =	shalt  }
0x7b: {  	_ =	shalt  }
0x7c: {  	_ =	shalt  }
0x7d: {  	_ =	shalt  }
0x7e: {  	_ =	shalt  }
0x7f: {  	_ =	shalt  }
0x80: {  	_ =	shalt  }
0x81: {  	_ =	shalt  }
0x82: {  	_ =	shalt  }
0x83: {  	_ =	shalt  }
0x84: {  	_ =	shalt  }
0x85: {  	_ =	shalt  }
0x86: {  	_ =	shalt  }
0x87: {  	_ =	shalt  }
.Lfunc_end0:
.L_simem_size_0:
called_computation_lowered:
.L_overlay_start_0:
0x88: {  	s1 =	sld [smem:$0x3FD9]  }
0x89: {  	s3 =	sld [smem:$0x3FFE];
	_ =	sdelay $0x1  }
0x8a: {  	s2 =	srdreg.scid  }
0x8b: {  	s0 =	sand.u32 $0x1, s2  }
0x8c: {  	s30 =	sshll.u32 s0, $0xA;
	s1 =	sadd.s32 s3, s1  }
0x8d: {  	s1 =	sadd.s32 s1, s30  }
0x8e: {  	[smem:$0x3FC7] =	sst s1  }
0x8f: {  	_ = 	snop  }
0x90: {  	s1 =	simm.s32 $0x0;
	s4 =	sld [smem:$0x3FC9]  }
0x91: {  	[smem:$0xF] =	sst s1  }
0x92: {  	s31 =	sld [smem:$0x3FD0];
	(tm) =	ssettm $0x1  }
0x93: {  	s5 =	sld [smem:$0x3FFB];
	_ =	sdelay $0x3  }
0x94: {  	_ =	strace s5  }
0x95: {  	s5 =	sld [smem:$0x3FFC];
	_ =	sdelay $0x3  }
0x96: {  	_ =	strace s5  }
0x97: {  	s5 =	sld [smem:$0x3FFD];
	_ =	sdelay $0x3  }
0x98: {  	_ =	strace s5  }
0x99: {  	_ =	strace $0x8FFFFFFF  }
0x9a: {  	s8 =	sld [smem:$0x3FDB];
	_ =	sdelay $0x2  }
0x9b: {  	s6 =	simm.s32 $_scs_section_size;
	s7 =	simm.s32 $_tile_overlayer_lowered  }
0x9c: {  	s9 =	simm.s32 $_size__tile_overlayer_lowered;
	s7 =	sshll.u32 s7, $0x1;
	s5 =	sadd.s32 s6, s8  }
0x9d: {  	s6 =	sshll.u32 s9, $0x1;
	s8 =	simm.s32 $0x1BFF;
	s7 =	sadd.s32 s7, s5  }
0x9e: {  	[timem:s1], [sflag:s8] =	dma.local [hbm:s7], s6  }
0x9f: {  	_ =	swait.ge [sflag:s8], s6  }
0xa0: {  	s6 =	ssub.s32 $0x0, s6;
	[sflag:s8] =	ssyncset.done $0x0  }
0xa1: {  	[sflag:s8] =	ssyncadd.s32 s6;
	_ =	sdelay $0x1  }
0xa2: {  	s10 =	simm.s32 $0x1B8B  }
0xa3: {  	_ =	swait.ge [sflag:s10], $0x1  }
0xa4: {  	[sflag:s10] =	ssyncset.done $0x0  }
0xa5: {  	s11 =	simm.s32 $0x1B8E;
	[sflag:s10] =	ssyncadd.s32 $0xFFFFFFFF  }
0xa6: {  	s12 =	simm.s32 $execute0_lowered;
	[smem:$0x3FD2] =	sst s11  }
0xa7: {  	s6 =	sshll.u32 s12, $0x1;
	_ =	strace $0x80000046;
	[dreg:$0x1] =	wrdreg $0xFFFFFFFF  }
0xa8: {  	s13 =	simm.s32 $_size_execute0_lowered;
	s5 =	sadd.s32 s5, s6;
	[dreg:$0x0] =	wrdreg $0x0  }
0xa9: {  	s6 =	sshll.u32 s13, $0x1;
	[dreg:$0x2] =	wrdreg s5  }
0xaa: {  	[dreg:$0x3] =	wrdreg s6  }
0xab: {  	[dreg:$0x4] =	wrdreg $0xC0  }
0xac: {  	_ =	task [dreg:s1], $0x5FFFF  }
0xad: {  	[dreg:$0x1] =	wrdreg $0xFFFFFFFF  }
0xae: {  	[dreg:$0x0] =	wrdreg $0x60  }
0xaf: {  	s17 =	simm.s32 $0xA;
	s14 =	sshll.u32 s0, $0x10;
	[dreg:$0x2] =	wrdreg s4  }
0xb0: {  	s15 =	sor.u32 $0x60000, s14;
	s18 =	sor.u32 $0x68000, s14;
	[dreg:$0x3] =	wrdreg s31  }
0xb1: {  	s16 =	sadd.s32 s15, s4;
	s9 =	simm.s32 $0xB;
	[dreg:$0x4] =	wrdreg $0x9  }
0xb2: {  	s10 =	simm.s32 $0x8000;
	s4 =	sadd.s32 s18, s4;
	_ =	task.clear_ibuf [dreg:s1], $0x5FFFF  }
0xb3: {  	[spmem:s1], [sflag:s17] =	dma.local [hbm:s16], $0x8000  }
0xb4: {  	[spmem:s10], [sflag:s9] =	dma.local [hbm:s4], $0x8000  }
0xb5: {  	s20 =	simm.s32 $0xC;
	s21 =	sadd.s32 s14, s31;
	_ =	swait.ge [sflag:s17], $0x8000  }
0xb6: {  	s19 =	sadd.s32 s15, s31;
	s22 =	sadd.s32 $0x160000, s21;
	[sflag:s17] =	ssyncset.done $0x0  }
0xb7: {  	s23 =	sadd.s32 $0x1E0000, s21;
	s5 =	sadd.s32 $0xE0000, s21;
	[sflag:s17] =	ssyncadd.s32 $0xFFFF8000  }
0xb8: {  	[hbm:s19], [sflag:s20] =	dma.local [spmem:s1], $0x8000  }
0xb9: {  	[hbm:s5], [sflag:s20] =	dma.local [spmem:s1], $0x8000  }
0xba: {  	[hbm:s22], [sflag:s20] =	dma.local [spmem:s1], $0x8000  }
0xbb: {  	[hbm:s23], [sflag:s20] =	dma.local [spmem:s1], $0x8000  }
0xbc: {  	s24 =	simm.s32 $0xD;
	_ =	swait.ge [sflag:s9], $0x8000  }
0xbd: {  	s3 =	sadd.s32 s18, s31;
	s25 =	sadd.s32 $0xE8000, s21;
	[sflag:s9] =	ssyncset.done $0x0  }
0xbe: {  	s26 =	sadd.s32 $0x168000, s21;
	s28 =	sadd.s32 $0x1E8000, s21;
	[sflag:s9] =	ssyncadd.s32 $0xFFFF8000  }
0xbf: {  	[hbm:s3], [sflag:s24] =	dma.local [spmem:s10], $0x8000  }
0xc0: {  	[hbm:s25], [sflag:s24] =	dma.local [spmem:s10], $0x8000  }
0xc1: {  	[hbm:s26], [sflag:s24] =	dma.local [spmem:s10], $0x8000  }
0xc2: {  	[hbm:s28], [sflag:s24] =	dma.local [spmem:s10], $0x8000  }
0xc3: {  	_ =	swait.ge [sflag:s20], $0x8000  }
0xc4: {  	[sflag:s20] =	ssyncset.done $0x0  }
0xc5: {  	[sflag:s20] =	ssyncadd.s32 $0xFFFF8000;
	_ =	sdelay $0x2  }
0xc6: {  	_ =	swait.ge [sflag:s20], $0x8000  }
0xc7: {  	[sflag:s20] =	ssyncset.done $0x0  }
0xc8: {  	[sflag:s20] =	ssyncadd.s32 $0xFFFF8000;
	_ =	sdelay $0x2  }
0xc9: {  	_ =	swait.ge [sflag:s20], $0x8000  }
0xca: {  	[sflag:s20] =	ssyncset.done $0x0  }
0xcb: {  	[sflag:s20] =	ssyncadd.s32 $0xFFFF8000;
	_ =	sdelay $0x2  }
0xcc: {  	_ =	swait.ge [sflag:s20], $0x8000  }
0xcd: {  	[sflag:s20] =	ssyncset.done $0x0  }
0xce: {  	[sflag:s20] =	ssyncadd.s32 $0xFFFF8000;
	_ =	sdelay $0x2  }
0xcf: {  	_ =	swait.ge [sflag:s24], $0x8000  }
0xd0: {  	[sflag:s24] =	ssyncset.done $0x0  }
0xd1: {  	[sflag:s24] =	ssyncadd.s32 $0xFFFF8000;
	_ =	sdelay $0x2  }
0xd2: {  	_ =	swait.ge [sflag:s24], $0x8000  }
0xd3: {  	[sflag:s24] =	ssyncset.done $0x0  }
0xd4: {  	[sflag:s24] =	ssyncadd.s32 $0xFFFF8000;
	_ =	sdelay $0x2  }
0xd5: {  	_ =	swait.ge [sflag:s24], $0x8000  }
0xd6: {  	[sflag:s24] =	ssyncset.done $0x0  }
0xd7: {  	[sflag:s24] =	ssyncadd.s32 $0xFFFF8000;
	_ =	sdelay $0x2  }
0xd8: {  	_ =	swait.ge [sflag:s24], $0x8000  }
0xd9: {  	[sflag:s24] =	ssyncset.done $0x0  }
0xda: {  	[sflag:s24] =	ssyncadd.s32 $0xFFFF8000  }
0xdb: {  	_ =	strace $0x90000046  }
0xdc: {  	s29 =	simm.s32 $0x9;
	_ =	strace $0x80000048  }
0xdd: {  	_ =	swait.ge [sflag:s29], $0x1  }
0xde: {  	[sflag:s29] =	ssyncadd.s32 $0xFFFFFFFF  }
0xdf: {  	_ =	strace $0x90000048  }
0xe0: {  	_ =	sfence  }
0xe1: {  	s30 =	sld [smem:$0x0];
	_ =	sdelay $0x2  }
0xe2: {  	s31 =	sshll.u32 s2, $0xD;
	s2 =	sshrl.u32 s2, $0x2  }
0xe3: {  	s4 =	sand.u32 $0x4000, s31;
	s2 =	sadd.s32 s2, s30  }
0xe4: {  	s0 =	sor.u32 s4, s0;
	s2 =	sshll.u32 s2, $0x11  }
0xe5: {  	s0 =	sor.u32 s2, s0  }
0xe6: {  	s0 =	sadd.s32 $0x8F2B, s0  }
0xe7: {  	[sflag:s0] =	ssyncadd.remote.s32 $0x1  }
0xe8: {  	_ =	sfence.sel $0xFFFF  }
0xe9: {  	[dreg:$0x0] =	wrdreg $0xFFFFFFFF;
	(pc) =	sbr.abs _section_cstart, $3  }
0xea: {  	[dreg:$0x1] =	wrdreg $0xFFFFFFFF  }
0xeb: {  	_ =	task.clear_ibuf [dreg:s1], $0x2FFFF;
	_ =	strace $0x9FFFFFFF  }
0xec: {  	(tm) =	ssettm $0x7FFFFFFF  }
0xed: {  	_ =	shalt  }
tec
execute0_lowered:
.L_overlay_start_1:
0x0: {  	(tag) =	ssettag $0x1  }
0x1: {  	s1 =	srdreg.scid;
	s0 =	stileid.u32  }
0x2: {  	s3 =	rddreg [dreg:$0x0];
	s11 =	sand.u32 $0x1, s1;
	s4 =	sshll.u32 s0, $0x1  }
0x3: {  	s6 =	rddreg [dreg:$0x1];
	s4 =	sor.u32 s11, s4  }
0x4: {  	s2 =	simm.s32 $0x0;
	s1 =	rddreg [dreg:$0x2];
	s7 =	smul.u32 $0x3000, s4  }
0x5: {  	s5 =	simm.s32 $0x2;
	[smem:$0x7FF] =	sst s2  }
0x6: {  	_ =	strace $0x80000047;
	s4 =	simm.s32 $0x8000;
	s3 =	sadd.s32 s3, s7  }
0x7: {  	[tilespmem:s4], [sflag:$0x2] =	stream.linear.gather [hbm4b:s3+s2], $0x18000, $0x38;
	v63 =	vld [tilespmem:$0x0]  }
0x8: {  	_ =	swait.ge [sflag:s5], $0x18000  }
0x9: {  	[sflag:s5] =	ssyncset.done $0x0  }
0xa: {  	s6 =	sadd.s32 s6, s7;
	[sflag:s5] =	ssyncadd.s32 $0xFFFE8000  }
0xb: {  	[hbm4b:s6+s2] =	stream.linear.scatter [tilespmem:s4], [sflag:$0x1], $0x18000, $0x38;
	v63 =	vld [tilespmem:$0x0]  }
0xc: {  	s7 =	sadd.s32 $0x80000, s6  }
0xd: {  	[hbm4b:s7+s2] =	stream.linear.scatter [tilespmem:s4], [sflag:$0x1], $0x18000, $0x38;
	v63 =	vld [tilespmem:$0x0]  }
0xe: {  	s8 =	sadd.s32 $0x100000, s6  }
0xf: {  	[hbm4b:s8+s2] =	stream.linear.scatter [tilespmem:s4], [sflag:$0x1], $0x18000, $0x38;
	v63 =	vld [tilespmem:$0x0]  }
0x10: {  	s9 =	simm.s32 $0x1;
	s10 =	sadd.s32 $0x180000, s6  }
0x11: {  	[hbm4b:s10+s2] =	stream.linear.scatter [tilespmem:s4], [sflag:$0x1], $0x18000, $0x38;
	v63 =	vld [tilespmem:$0x0]  }
0x12: {  	_ =	swait.ge [sflag:s9], $0x18000  }
0x13: {  	s11 =	ssub.s32 $0x2, s11;
	[sflag:s9] =	ssyncset.done $0x0  }
0x14: {  	s12 =	sshrl.u32 s11, $0x1;
	[sflag:s9] =	ssyncadd.s32 $0xFFFE8000  }
0x15: {  	s11 =	ssub.s32 s11, s12;
	_ =	swait.ge [sflag:s9], $0x18000  }
0x16: {  	s11 =	smax.u32 s11, $0x1;
	[sflag:s9] =	ssyncset.done $0x0  }
0x17: {  	p0 =	sne.s32 s11, $0x1;
	[sflag:s9] =	ssyncadd.s32 $0xFFFE8000  }
.Ltmp0:
0x18: {  	_ =	swait.ge [sflag:s9], $0x18000;
	(pc) =	sbr.rel @!p0 .LBB2_2-.Ltmp0, $4  }
0x19: {  	[sflag:s9] =	ssyncset.done $0x0  }
0x1a: {  	[sflag:s9] =	ssyncadd.s32 $0xFFFE8000  }
0x1b: {  	_ =	swait.ge [sflag:s9], $0x18000  }
0x1c: {  	s11 =	sadd.s32 $0xFFFFFFFF, s11;
	[sflag:s9] =	ssyncset.done $0x0  }
.LBB2_1:
0x1d: {  	p0 =	sne.s32 s11, $0x1;
	s11 =	sadd.s32 $0xFFFFFFFF, s11;
	[sflag:s9] =	ssyncadd.s32 $0xFFFE8000  }
0x1e: {  	[tilespmem:s4], [sflag:$0x2] =	stream.linear.gather [hbm4b:s3+s2], $0x18000, $0x38;
	v63 =	vld [tilespmem:$0x0]  }
0x1f: {  	_ =	swait.ge [sflag:s5], $0x18000  }
0x20: {  	[sflag:s5] =	ssyncset.done $0x0  }
0x21: {  	[sflag:s5] =	ssyncadd.s32 $0xFFFE8000  }
0x22: {  	[hbm4b:s6+s2] =	stream.linear.scatter [tilespmem:s4], [sflag:$0x1], $0x18000, $0x38;
	v63 =	vld [tilespmem:$0x0]  }
0x23: {  	_ = 	snop  }
0x24: {  	[hbm4b:s7+s2] =	stream.linear.scatter [tilespmem:s4], [sflag:$0x1], $0x18000, $0x38;
	v63 =	vld [tilespmem:$0x0]  }
0x25: {  	_ = 	snop  }
0x26: {  	[hbm4b:s8+s2] =	stream.linear.scatter [tilespmem:s4], [sflag:$0x1], $0x18000, $0x38;
	v63 =	vld [tilespmem:$0x0]  }
0x27: {  	_ = 	snop  }
0x28: {  	[hbm4b:s10+s2] =	stream.linear.scatter [tilespmem:s4], [sflag:$0x1], $0x18000, $0x38;
	v63 =	vld [tilespmem:$0x0]  }
0x29: {  	_ =	swait.ge [sflag:s9], $0x18000  }
0x2a: {  	[sflag:s9] =	ssyncset.done $0x0  }
0x2b: {  	[sflag:s9] =	ssyncadd.s32 $0xFFFE8000  }
0x2c: {  	_ =	swait.ge [sflag:s9], $0x18000  }
0x2d: {  	[sflag:s9] =	ssyncset.done $0x0  }
0x2e: {  	[sflag:s9] =	ssyncadd.s32 $0xFFFE8000  }
.Ltmp1:
0x2f: {  	_ =	swait.ge [sflag:s9], $0x18000;
	(pc) =	sbr.rel @p0 .LBB2_1-.Ltmp1, $4  }
0x30: {  	[sflag:s9] =	ssyncset.done $0x0  }
0x31: {  	[sflag:s9] =	ssyncadd.s32 $0xFFFE8000  }
0x32: {  	_ =	swait.ge [sflag:s9], $0x18000  }
0x33: {  	[sflag:s9] =	ssyncset.done $0x0  }
.LBB2_2:
0x34: {  	[sflag:s9] =	ssyncadd.s32 $0xFFFE8000  }
0x35: {  	_ =	sfence.sel $0x180000  }
0x36: {  	[bflag:$0x0] =	sbarrier.arrive $0xFFFF  }
0x37: {  	p0 =	sne.s32 s0, $0x0;
	_ =	strace $0x90000047  }
0x38: {  	s0 =	sadd.s32 @!p0 $0x100000, s1;
	[bflag:$0x2] =	sbarrier.arrive $0xFFFF  }
0x39: {  	[sflag:s0] =	ssyncadd.tile.s32 @!p0 $0x1;
	_ =	shalt  }
.Lfunc_end2:
_tile_overlayer_lowered:
.L_overlay_start_2:
0x3a: {  	(tag) =	ssettag $0x2  }
0x3b: {  	s0 =	rddreg [dreg:$0x0];
	s2 =	stileid.u32  }
0x3c: {  	s1 =	rddreg [dreg:$0x1];
	p0 =	sne.s32 s2, $0x0  }
0x3d: {  	s3 =	rddreg [dreg:$0x2];
	[bflag:$0x3] =	sbarrier.arrive $0xFFFF;
	s2 =	simm.s32 @!p0 $0x1C02  }
0x3e: {  	[timem:s3], [sflag:s2] =	dma.local @!p0 [hbm:s0], s1  }
0x3f: {  	s0 =	simm.s32 @!p0 $0x2  }
0x40: {  	_ =	swait.ge @!p0 [sflag:s0], s1  }
0x41: {  	s1 =	ssub.s32 @!p0 $0x0, s1;
	[sflag:s0] =	ssyncset.done @!p0 $0x0  }
0x42: {  	[sflag:s0] =	ssyncadd.s32 @!p0 s1  }
0x43: {  	[bflag:$0x3] =	sbarrier.arrive $0xFFFF  }
0x44: {  	_ =	shalt  }

</sc_bundles>
